<compile_context>
chip_gen: v7x
topology: tpu7x:2x2x1
jax: 0.10.2.dev20260603
libtpu: 0.0.44.dev20260713+nightly
codegen_flags: <defaults>
</compile_context>

<pallas_src>
import functools

import jax
import jax.numpy as jnp
from jax import lax
from jax.experimental import pallas as pl
from jax.experimental.pallas import tpu as pltpu
from jax.experimental.pallas import tpu_sc as plsc

_B = 2048
_D_IN = 784
_H = 400
_ED = 64
_K = 512


def _enc_kernel(x_ref, w1t_ref, b1_ref, w2t_ref, b2_ref, embt_ref,
                ze_ref, idx_ref):
    xb = x_ref[...]
    h1 = jnp.maximum(
        jnp.dot(xb, w1t_ref[...], preferred_element_type=jnp.float32)
        + b1_ref[...], 0.0)
    z_e = (jnp.dot(h1.astype(jnp.bfloat16), w2t_ref[...],
                   preferred_element_type=jnp.float32) + b2_ref[...])
    embt = embt_ref[...]
    e2 = jnp.sum(embt * embt, axis=0, keepdims=True)
    score = e2 - 2.0 * jnp.dot(z_e, embt, preferred_element_type=jnp.float32)
    min_s = jnp.min(score, axis=1, keepdims=True)
    iota_k = jax.lax.broadcasted_iota(jnp.int32, (_B, _K), 1)
    idx = jnp.min(jnp.where(score == min_s, iota_k, _K), axis=1)
    ze_ref[...] = z_e
    idx_ref[...] = idx[:, None]


def _enc(xb, w1t, b1, w2t, b2, embt):
    return pl.pallas_call(
        _enc_kernel,
        out_shape=[
            jax.ShapeDtypeStruct((_B, _ED), jnp.float32),
            jax.ShapeDtypeStruct((_B, 1), jnp.int32),
        ],
    )(xb, w1t, b1, w2t, b2, embt)


_info = plsc.get_sparse_core_info()
_NC, _NS = _info.num_cores, _info.num_subcores
_NW = _NC * _NS
_BPW = _B // _NW


def _sc_gather_kernel(table_hbm, idx_hbm, out_hbm, idx_v, rows_v, sem):
    wid = lax.axis_index("s") * _NC + lax.axis_index("c")
    base = wid * _BPW
    pltpu.sync_copy(idx_hbm.at[pl.ds(base, _BPW)], idx_v)
    pltpu.async_copy(table_hbm.at[idx_v], rows_v, sem).wait()
    pltpu.sync_copy(rows_v, out_hbm.at[pl.ds(base, _BPW)])


def _sc_gather(emb_padded, idx):
    mesh = plsc.VectorSubcoreMesh(core_axis_name="c", subcore_axis_name="s")
    k = functools.partial(
        pl.kernel, mesh=mesh,
        out_type=jax.ShapeDtypeStruct((_B, 128), jnp.float32),
        scratch_types=[
            pltpu.VMEM((_BPW,), jnp.int32),
            pltpu.VMEM((_BPW, 128), jnp.float32),
            pltpu.SemaphoreType.DMA,
        ],
    )(_sc_gather_kernel)
    return k(emb_padded, idx)


def _dec_kernel(x_ref, ze_ref, zq_ref, w3t_ref, b3_ref, w4t_ref, b4_ref,
                out_ref, bce_ref, vq_ref):
    z_e = ze_ref[...]
    z_q = zq_ref[...][:, :_ED]
    diff = z_e - z_q
    vq_ref[...] = jnp.sum(diff * diff).reshape(1, 1)
    h3 = jnp.maximum(
        jnp.dot(z_q.astype(jnp.bfloat16), w3t_ref[...],
                preferred_element_type=jnp.float32) + b3_ref[...], 0.0)
    logits = (jnp.dot(h3.astype(jnp.bfloat16), w4t_ref[...],
                      preferred_element_type=jnp.float32) + b4_ref[...])
    t = jnp.exp(-logits)
    p = 1.0 / (1.0 + t)
    out_ref[...] = p.astype(jnp.bfloat16)
    x = x_ref[...].astype(jnp.float32)
    bce_ref[...] = jnp.sum((x - 1.0) * logits - jnp.log(1.0 + t)).reshape(1, 1)


def _dec(xb, z_e, z_q, w3t, b3, w4t, b4):
    return pl.pallas_call(
        _dec_kernel,
        out_shape=[
            jax.ShapeDtypeStruct((_B, _D_IN), jnp.bfloat16),
            jax.ShapeDtypeStruct((1, 1), jnp.float32),
            jax.ShapeDtypeStruct((1, 1), jnp.float32),
        ],
    )(xb, z_e, z_q, w3t, b3, w4t, b4)


def kernel(x, W1, b1, W2, b2, W3, b3, W4, b4, emb):
    bf = jnp.bfloat16
    xb = x.astype(bf)
    z_e, idx = _enc(xb, W1.T.astype(bf), b1.reshape(1, -1),
                    W2.T.astype(bf), b2.reshape(1, -1), emb.T)
    emb_padded = jnp.pad(emb, ((0, 0), (0, 128 - _ED)))
    z_q = _sc_gather(emb_padded, idx.reshape(-1))
    out, bce, vq = _dec(xb, z_e, z_q, W3.T.astype(bf), b3.reshape(1, -1),
                        W4.T.astype(bf), b4.reshape(1, -1))
    reconst_loss = -bce[0, 0] / (_B * _D_IN)
    vq_loss = vq[0, 0] / _B
    return out.astype(jnp.float32), reconst_loss, vq_loss, vq_loss

# --- scband reference (transcript-rebuilt; emitter-appended) ---
"""Pipeline reference for scband-vqvae-59150289600649 (READ-ONLY COPY).

The authoritative reference and input builder live on the scoring server;
editing this copy changes nothing except your own understanding.
"""

import jax, jax.numpy as jnp
import numpy as np

B = 2048
D_IN = 784
H = 400
EMBED_DIM = 64
EMBED_NUM = 512


def setup_inputs(seed: int = 0) -> dict:
    key = jax.random.key(seed)
    ks = jax.random.split(key, 12)
    x = jax.random.uniform(ks[0], (B, D_IN), dtype=jnp.float32)  # in [0,1) for BCE target
    W1 = jax.random.normal(ks[1], (H, D_IN), dtype=jnp.float32) * 0.02
    b1 = jnp.zeros((H,), dtype=jnp.float32)
    W2 = jax.random.normal(ks[2], (EMBED_DIM, H), dtype=jnp.float32) * 0.02
    b2 = jnp.zeros((EMBED_DIM,), dtype=jnp.float32)
    W3 = jax.random.normal(ks[3], (H, EMBED_DIM), dtype=jnp.float32) * 0.02
    b3 = jnp.zeros((H,), dtype=jnp.float32)
    W4 = jax.random.normal(ks[4], (D_IN, H), dtype=jnp.float32) * 0.02
    b4 = jnp.zeros((D_IN,), dtype=jnp.float32)
    emb = jax.random.normal(ks[5], (EMBED_NUM, EMBED_DIM), dtype=jnp.float32) * 0.02
    return {"x": x, "W1": W1, "b1": b1, "W2": W2, "b2": b2,
            "W3": W3, "b3": b3, "W4": W4, "b4": b4, "emb": emb}


def reference(x, W1, b1, W2, b2, W3, b3, W4, b4, emb):
    batch_size = x.shape[0]
    # encode
    h1 = jax.nn.relu(x @ W1.T + b1)
    z_e = h1 @ W2.T + b2                      # (B, EMBED_DIM)
    # vector quantization: pairwise squared L2 distances (faithful to stacked version)
    dist = jnp.sum((z_e[:, None, :] - emb[None, :, :]) ** 2, axis=2)  # (B, K)
    indices = jnp.argmin(dist, axis=1)        # torch.min(dist,-1)[1]
    z_q = jnp.take(emb, indices, axis=0)      # (B, EMBED_DIM)
    # decode uses a detached copy of z_q (straight-through leaf in torch code)
    z_q_dec = jax.lax.stop_gradient(z_q)
    h3 = jax.nn.relu(z_q_dec @ W3.T + b3)
    x_reconst = jax.nn.sigmoid(h3 @ W4.T + b4)
    # binary_cross_entropy with mean reduction over all elements
    p = jnp.clip(x_reconst, 1e-12, 1.0 - 1e-12)
    reconst_loss = -jnp.mean(x * jnp.log(p) + (1.0 - x) * jnp.log(1.0 - p))
    # embed loss: ||sg(z_e) - z_q||^2 / batch_size (grad flows to emb via gather)
    embed_loss = jnp.sum((jax.lax.stop_gradient(z_e) - z_q) ** 2) / batch_size
    # commitment loss: ||z_e - sg(z_q)||^2 / batch_size
    commit_loss = jnp.sum((z_e - jax.lax.stop_gradient(z_q)) ** 2) / batch_size
    return (x_reconst, reconst_loss, embed_loss, commit_loss)

if __name__ == "__main__":
    import jax
    _d = setup_inputs()
    print(jax.jit(kernel)(*tuple(_d.values())))

</pallas_src>

<mosaic_0001>
#map = affine_map<(d0, d1) -> (0, 0)>
#map1 = affine_map<(d0, d1) -> (0)>
module attributes {stable_mosaic.version = 14 : i64} {
  func.func @_sc_gather_kernel(%arg0: i32, %arg1: i32, %arg2: memref<512x128xf32, #tpu.memory_space<hbm>>, %arg3: memref<2048xi32, #tpu.memory_space<hbm>>, %arg4: memref<2048x128xf32, #tpu.memory_space<hbm>>, %arg5: memref<64xi32, #tpu.memory_space<vmem>>, %arg6: memref<64x128xf32, #tpu.memory_space<vmem>>, %arg7: memref<!tpu.dma_semaphore, #tpu.memory_space<semaphore_mem>>) attributes {dimension_semantics = [#tpu.dimension_semantics<core_parallel>, #tpu.dimension_semantics<subcore_parallel>], iteration_bounds = array<i64: 2, 16>, scalar_prefetch = 0 : i64, scratch_operands = 3 : i64, tpu.core_type = #tpu.core_type<sc_vector_subcore>, window_params = [{transform_indices = #map}, {transform_indices = #map1}, {transform_indices = #map}]} {
    %mul3A = arith.constant 2 : i32
    %mul3A_0 = arith.muli %arg1, %mul3A : i32
    %add3A = arith.addi %mul3A_0, %arg0 : i32
    %mul3A_1 = arith.constant 64 : i32
    %mul3A_2 = arith.muli %add3A, %mul3A_1 : i32
    "tpu.region"() ({
      %run_scoped3A = tpu.sem_alloc : memref<!tpu.dma_semaphore, #tpu.memory_space<semaphore_mem>>
      %dma_start3A_7 = tpu.memref_slice %arg3[%mul3A_2] : memref<2048xi32, #tpu.memory_space<hbm>> -> memref<64xi32, #tpu.memory_space<hbm>>
      %dma_start3A_8 = tpu.memref_slice %arg3[%mul3A_2] : memref<2048xi32, #tpu.memory_space<hbm>> -> memref<64xi32, #tpu.memory_space<hbm>>
      tpu.enqueue_dma source(%dma_start3A_8 : memref<64xi32, #tpu.memory_space<hbm>>) target(%arg5 : memref<64xi32, #tpu.memory_space<vmem>>) target_semaphore(%run_scoped3A : memref<!tpu.dma_semaphore, #tpu.memory_space<semaphore_mem>>)
      %dma_wait3A_9 = tpu.memref_slice %arg3[%mul3A_2] : memref<2048xi32, #tpu.memory_space<hbm>> -> memref<64xi32, #tpu.memory_space<hbm>>
      %dma_wait3A_10 = tpu.memref_slice %arg3[%mul3A_2] : memref<2048xi32, #tpu.memory_space<hbm>> -> memref<64xi32, #tpu.memory_space<hbm>>
      tpu.wait_dma2 semaphore(%run_scoped3A : memref<!tpu.dma_semaphore, #tpu.memory_space<semaphore_mem>>) src(%dma_wait3A_10 : memref<64xi32, #tpu.memory_space<hbm>>) dst(%arg5 : memref<64xi32, #tpu.memory_space<vmem>>)
      tpu.yield
    }) : () -> ()
    %dma_start3A = arith.constant 0 : i32
    %dma_start3A_3 = arith.constant 0 : i32
    %dma_start3A_4 = tpu.memref_slice %arg2[%dma_start3A, %dma_start3A_3] : memref<512x128xf32, #tpu.memory_space<hbm>> -> memref<512x128xf32, #tpu.memory_space<hbm>>
    tpu.enqueue_indirect_dma source(%dma_start3A_4 : memref<512x128xf32, #tpu.memory_space<hbm>>) target(%arg6 : memref<64x128xf32, #tpu.memory_space<vmem>>) offsets(%arg5 : memref<64xi32, #tpu.memory_space<vmem>>) semaphore(%arg7 : memref<!tpu.dma_semaphore, #tpu.memory_space<semaphore_mem>>)
    %dma_wait3A = arith.constant 0 : i32
    %dma_wait3A_5 = arith.constant 0 : i32
    %dma_wait3A_6 = tpu.memref_slice %arg2[%dma_wait3A, %dma_wait3A_5] : memref<512x128xf32, #tpu.memory_space<hbm>> -> memref<512x128xf32, #tpu.memory_space<hbm>>
    tpu.wait_indirect_dma semaphore(%arg7 : memref<!tpu.dma_semaphore, #tpu.memory_space<semaphore_mem>>) src(%dma_wait3A_6 : memref<512x128xf32, #tpu.memory_space<hbm>>) dst(%arg6 : memref<64x128xf32, #tpu.memory_space<vmem>>)
    "tpu.region"() ({
      %run_scoped3A = tpu.sem_alloc : memref<!tpu.dma_semaphore, #tpu.memory_space<semaphore_mem>>
      %dma_start3A_7 = arith.constant 0 : i32
      %dma_start3A_8 = tpu.memref_slice %arg4[%mul3A_2, %dma_start3A_7] : memref<2048x128xf32, #tpu.memory_space<hbm>> -> memref<64x128xf32, #tpu.memory_space<hbm>>
      %dma_start3A_9 = arith.constant 0 : i32
      %dma_start3A_10 = tpu.memref_slice %arg4[%mul3A_2, %dma_start3A_9] : memref<2048x128xf32, #tpu.memory_space<hbm>> -> memref<64x128xf32, #tpu.memory_space<hbm>>
      tpu.enqueue_dma source(%arg6 : memref<64x128xf32, #tpu.memory_space<vmem>>) target(%dma_start3A_10 : memref<64x128xf32, #tpu.memory_space<hbm>>) target_semaphore(%run_scoped3A : memref<!tpu.dma_semaphore, #tpu.memory_space<semaphore_mem>>)
      %dma_wait3A_11 = arith.constant 0 : i32
      %dma_wait3A_12 = tpu.memref_slice %arg4[%mul3A_2, %dma_wait3A_11] : memref<2048x128xf32, #tpu.memory_space<hbm>> -> memref<64x128xf32, #tpu.memory_space<hbm>>
      %dma_wait3A_13 = arith.constant 0 : i32
      %dma_wait3A_14 = tpu.memref_slice %arg4[%mul3A_2, %dma_wait3A_13] : memref<2048x128xf32, #tpu.memory_space<hbm>> -> memref<64x128xf32, #tpu.memory_space<hbm>>
      tpu.wait_dma2 semaphore(%run_scoped3A : memref<!tpu.dma_semaphore, #tpu.memory_space<semaphore_mem>>) src(%arg6 : memref<64x128xf32, #tpu.memory_space<vmem>>) dst(%dma_wait3A_14 : memref<64x128xf32, #tpu.memory_space<hbm>>)
      tpu.yield
    }) : () -> ()
    return
  }
}

module attributes {stable_mosaic.version = 14 : i64} {
  func.func @_enc_kernel(%arg0: memref<2048x784xbf16, #tpu.memory_space<vmem>>, %arg1: memref<784x400xbf16, #tpu.memory_space<vmem>>, %arg2: memref<1x400xf32, #tpu.memory_space<vmem>>, %arg3: memref<400x64xbf16, #tpu.memory_space<vmem>>, %arg4: memref<1x64xf32, #tpu.memory_space<vmem>>, %arg5: memref<64x512xf32, #tpu.memory_space<vmem>>, %arg6: memref<2048x64xf32, #tpu.memory_space<vmem>>, %arg7: memref<2048x1xi32, #tpu.memory_space<vmem>>) attributes {dimension_semantics = [], scalar_prefetch = 0 : i64, scratch_operands = 0 : i64, tpu.core_type = #tpu.core_type<tc>} {
    %get3A = arith.constant 0 : index
    %get3A_0 = arith.constant 0 : index
    %get3A_1 = vector.load %arg0[%get3A, %get3A_0] : memref<2048x784xbf16, #tpu.memory_space<vmem>>, vector<2048x784xbf16>
    %get3A_2 = arith.constant 0 : index
    %get3A_3 = arith.constant 0 : index
    %get3A_4 = vector.load %arg1[%get3A_2, %get3A_3] : memref<784x400xbf16, #tpu.memory_space<vmem>>, vector<784x400xbf16>
    %dot_general3A = arith.constant dense<0.000000e+00> : vector<2048x400xf32>
    %dot_general3A_5 = tpu.matmul %get3A_1, %get3A_4, %dot_general3A {dimension_numbers = #tpu.dot_dimension_numbers<[1], [0], [0], [1], [0, 0, 1, 1], [], []>, transpose_lhs_hint = false} : vector<2048x784xbf16>, vector<784x400xbf16>, vector<2048x400xf32> -> vector<2048x400xf32>
    %get3A_6 = arith.constant 0 : index
    %get3A_7 = arith.constant 0 : index
    %get3A_8 = vector.load %arg2[%get3A_6, %get3A_7] : memref<1x400xf32, #tpu.memory_space<vmem>>, vector<1x400xf32>
    %add3A = vector.broadcast %get3A_8 : vector<1x400xf32> to vector<2048x400xf32>
    %add3A_9 = arith.addf %dot_general3A_5, %add3A : vector<2048x400xf32>
    %max3A = arith.constant 0.000000e+00 : f32
    %max3A_10 = vector.broadcast %max3A : f32 to vector<2048x400xf32>
    %max3A_11 = arith.maximumf %add3A_9, %max3A_10 : vector<2048x400xf32>
    %convert_element_type3A = arith.truncf %max3A_11 : vector<2048x400xf32> to vector<2048x400xbf16>
    %get3A_12 = arith.constant 0 : index
    %get3A_13 = arith.constant 0 : index
    %get3A_14 = vector.load %arg3[%get3A_12, %get3A_13] : memref<400x64xbf16, #tpu.memory_space<vmem>>, vector<400x64xbf16>
    %dot_general3A_15 = arith.constant dense<0.000000e+00> : vector<2048x64xf32>
    %dot_general3A_16 = tpu.matmul %convert_element_type3A, %get3A_14, %dot_general3A_15 {dimension_numbers = #tpu.dot_dimension_numbers<[1], [0], [0], [1], [0, 0, 1, 1], [], []>, transpose_lhs_hint = false} : vector<2048x400xbf16>, vector<400x64xbf16>, vector<2048x64xf32> -> vector<2048x64xf32>
    %get3A_17 = arith.constant 0 : index
    %get3A_18 = arith.constant 0 : index
    %get3A_19 = vector.load %arg4[%get3A_17, %get3A_18] : memref<1x64xf32, #tpu.memory_space<vmem>>, vector<1x64xf32>
    %add3A_20 = vector.broadcast %get3A_19 : vector<1x64xf32> to vector<2048x64xf32>
    %add3A_21 = arith.addf %dot_general3A_16, %add3A_20 : vector<2048x64xf32>
    %get3A_22 = arith.constant 0 : index
    %get3A_23 = arith.constant 0 : index
    %get3A_24 = vector.load %arg5[%get3A_22, %get3A_23] : memref<64x512xf32, #tpu.memory_space<vmem>>, vector<64x512xf32>
    %mul3A = arith.mulf %get3A_24, %get3A_24 : vector<64x512xf32>
    %reduce_sum3A = arith.constant dense<0.000000e+00> : vector<512xf32>
    %reduce_sum3A_25 = vector.multi_reduction <add>, %mul3A, %reduce_sum3A [0] : vector<64x512xf32> to vector<512xf32>
    %broadcast_in_dim3A = vector.shape_cast %reduce_sum3A_25 : vector<512xf32> to vector<1x512xf32>
    %dot_general3A_26 = arith.constant dense<0.000000e+00> : vector<2048x512xf32>
    %dot_general3A_27 = tpu.matmul %add3A_21, %get3A_24, %dot_general3A_26 {dimension_numbers = #tpu.dot_dimension_numbers<[1], [0], [0], [1], [0, 0, 1, 1], [], []>, transpose_lhs_hint = false} : vector<2048x64xf32>, vector<64x512xf32>, vector<2048x512xf32> -> vector<2048x512xf32>
    %mul3A_28 = arith.constant 2.000000e+00 : f32
    %mul3A_29 = vector.broadcast %mul3A_28 : f32 to vector<2048x512xf32>
    %mul3A_30 = arith.mulf %mul3A_29, %dot_general3A_27 : vector<2048x512xf32>
    %sub3A = vector.broadcast %broadcast_in_dim3A : vector<1x512xf32> to vector<2048x512xf32>
    %sub3A_31 = arith.subf %sub3A, %mul3A_30 : vector<2048x512xf32>
    %reduce_min3A = arith.constant dense<0x7F800000> : vector<2048xf32>
    %reduce_min3A_32 = vector.multi_reduction <minimumf>, %sub3A_31, %reduce_min3A [1] : vector<2048x512xf32> to vector<2048xf32>
    %broadcast_in_dim3A_33 = vector.shape_cast %reduce_min3A_32 : vector<2048xf32> to vector<2048x1xf32>
    %iota3A = tpu.iota {dimensions = array<i32: 1>} : vector<2048x512xi32>
    %eq3A = vector.broadcast %broadcast_in_dim3A_33 : vector<2048x1xf32> to vector<2048x512xf32>
    %eq3A_34 = arith.cmpf oeq, %sub3A_31, %eq3A : vector<2048x512xf32>
    %jit3A = arith.constant 512 : i32
    %broadcast_in_dim3A_35 = vector.broadcast %jit3A : i32 to vector<2048x512xi32>
    %select_n3A = arith.select %eq3A_34, %iota3A, %broadcast_in_dim3A_35 : vector<2048x512xi1>, vector<2048x512xi32>
    %reduce_min3A_36 = arith.constant dense<2147483647> : vector<2048xi32>
    %reduce_min3A_37 = vector.multi_reduction <minsi>, %select_n3A, %reduce_min3A_36 [1] : vector<2048x512xi32> to vector<2048xi32>
    %swap3A = arith.constant 0 : index
    %swap3A_38 = arith.constant 0 : index
    %swap3A_39 = vector.load %arg6[%swap3A, %swap3A_38] : memref<2048x64xf32, #tpu.memory_space<vmem>>, vector<2048x64xf32>
    tpu.vector_store %arg6[%swap3A, %swap3A_38], %add3A_21 {strides = array<i32>} : memref<2048x64xf32, #tpu.memory_space<vmem>>, vector<2048x64xf32>,
    %broadcast_in_dim3A_40 = vector.shape_cast %reduce_min3A_37 : vector<2048xi32> to vector<2048x1xi32>
    %swap3A_41 = arith.constant 0 : index
    %swap3A_42 = arith.constant 0 : index
    %swap3A_43 = vector.load %arg7[%swap3A_41, %swap3A_42] : memref<2048x1xi32, #tpu.memory_space<vmem>>, vector<2048x1xi32>
    tpu.vector_store %arg7[%swap3A_41, %swap3A_42], %broadcast_in_dim3A_40 {strides = array<i32>} : memref<2048x1xi32, #tpu.memory_space<vmem>>, vector<2048x1xi32>,
    return
  }
}

module attributes {stable_mosaic.version = 14 : i64} {
  func.func @_dec_kernel(%arg0: memref<2048x784xbf16, #tpu.memory_space<vmem>>, %arg1: memref<2048x64xf32, #tpu.memory_space<vmem>>, %arg2: memref<2048x128xf32, #tpu.memory_space<vmem>>, %arg3: memref<64x400xbf16, #tpu.memory_space<vmem>>, %arg4: memref<1x400xf32, #tpu.memory_space<vmem>>, %arg5: memref<400x784xbf16, #tpu.memory_space<vmem>>, %arg6: memref<1x784xf32, #tpu.memory_space<vmem>>, %arg7: memref<2048x784xbf16, #tpu.memory_space<vmem>>, %arg8: memref<1x1xf32, #tpu.memory_space<vmem>>, %arg9: memref<1x1xf32, #tpu.memory_space<vmem>>) attributes {dimension_semantics = [], scalar_prefetch = 0 : i64, scratch_operands = 0 : i64, tpu.core_type = #tpu.core_type<tc>} {
    %get3A = arith.constant 0 : index
    %get3A_0 = arith.constant 0 : index
    %get3A_1 = vector.load %arg1[%get3A, %get3A_0] : memref<2048x64xf32, #tpu.memory_space<vmem>>, vector<2048x64xf32>
    %get3A_2 = arith.constant 0 : index
    %get3A_3 = arith.constant 0 : index
    %get3A_4 = vector.load %arg2[%get3A_2, %get3A_3] : memref<2048x128xf32, #tpu.memory_space<vmem>>, vector<2048x128xf32>
    %slice3A = vector.extract_strided_slice %get3A_4 {offsets = [0, 0], sizes = [2048, 64], strides = [1, 1]} : vector<2048x128xf32> to vector<2048x64xf32>
    %sub3A = arith.subf %get3A_1, %slice3A : vector<2048x64xf32>
    %mul3A = arith.mulf %sub3A, %sub3A : vector<2048x64xf32>
    %reduce_sum3A = vector.shape_cast %mul3A : vector<2048x64xf32> to vector<1x2048x64xf32>
    %reduce_sum3A_5 = arith.constant dense<0.000000e+00> : vector<1xf32>
    %reduce_sum3A_6 = vector.multi_reduction <add>, %reduce_sum3A, %reduce_sum3A_5 [1, 2] : vector<1x2048x64xf32> to vector<1xf32>
    %reduce_sum3A_7 = vector.shape_cast %reduce_sum3A_6 : vector<1xf32> to vector<1x1x1xf32>
    %reduce_sum3A_8 = vector.extract %reduce_sum3A_7[0, 0, 0] : f32 from vector<1x1x1xf32>
    %reshape3A = vector.broadcast %reduce_sum3A_8 : f32 to vector<1x1xf32>
    %swap3A = arith.constant 0 : index
    %swap3A_9 = arith.constant 0 : index
    %swap3A_10 = vector.load %arg9[%swap3A, %swap3A_9] : memref<1x1xf32, #tpu.memory_space<vmem>>, vector<1x1xf32>
    tpu.vector_store %arg9[%swap3A, %swap3A_9], %reshape3A {strides = array<i32>} : memref<1x1xf32, #tpu.memory_space<vmem>>, vector<1x1xf32>,
    %convert_element_type3A = arith.truncf %slice3A : vector<2048x64xf32> to vector<2048x64xbf16>
    %get3A_11 = arith.constant 0 : index
    %get3A_12 = arith.constant 0 : index
    %get3A_13 = vector.load %arg3[%get3A_11, %get3A_12] : memref<64x400xbf16, #tpu.memory_space<vmem>>, vector<64x400xbf16>
    %dot_general3A = arith.constant dense<0.000000e+00> : vector<2048x400xf32>
    %dot_general3A_14 = tpu.matmul %convert_element_type3A, %get3A_13, %dot_general3A {dimension_numbers = #tpu.dot_dimension_numbers<[1], [0], [0], [1], [0, 0, 1, 1], [], []>, transpose_lhs_hint = false} : vector<2048x64xbf16>, vector<64x400xbf16>, vector<2048x400xf32> -> vector<2048x400xf32>
    %get3A_15 = arith.constant 0 : index
    %get3A_16 = arith.constant 0 : index
    %get3A_17 = vector.load %arg4[%get3A_15, %get3A_16] : memref<1x400xf32, #tpu.memory_space<vmem>>, vector<1x400xf32>
    %add3A = vector.broadcast %get3A_17 : vector<1x400xf32> to vector<2048x400xf32>
    %add3A_18 = arith.addf %dot_general3A_14, %add3A : vector<2048x400xf32>
    %max3A = arith.constant 0.000000e+00 : f32
    %max3A_19 = vector.broadcast %max3A : f32 to vector<2048x400xf32>
    %max3A_20 = arith.maximumf %add3A_18, %max3A_19 : vector<2048x400xf32>
    %convert_element_type3A_21 = arith.truncf %max3A_20 : vector<2048x400xf32> to vector<2048x400xbf16>
    %get3A_22 = arith.constant 0 : index
    %get3A_23 = arith.constant 0 : index
    %get3A_24 = vector.load %arg5[%get3A_22, %get3A_23] : memref<400x784xbf16, #tpu.memory_space<vmem>>, vector<400x784xbf16>
    %dot_general3A_25 = arith.constant dense<0.000000e+00> : vector<2048x784xf32>
    %dot_general3A_26 = tpu.matmul %convert_element_type3A_21, %get3A_24, %dot_general3A_25 {dimension_numbers = #tpu.dot_dimension_numbers<[1], [0], [0], [1], [0, 0, 1, 1], [], []>, transpose_lhs_hint = false} : vector<2048x400xbf16>, vector<400x784xbf16>, vector<2048x784xf32> -> vector<2048x784xf32>
    %get3A_27 = arith.constant 0 : index
    %get3A_28 = arith.constant 0 : index
    %get3A_29 = vector.load %arg6[%get3A_27, %get3A_28] : memref<1x784xf32, #tpu.memory_space<vmem>>, vector<1x784xf32>
    %add3A_30 = vector.broadcast %get3A_29 : vector<1x784xf32> to vector<2048x784xf32>
    %add3A_31 = arith.addf %dot_general3A_26, %add3A_30 : vector<2048x784xf32>
    %neg3A = arith.constant 0.000000e+00 : f32
    %neg3A_32 = vector.broadcast %neg3A : f32 to vector<2048x784xf32>
    %neg3A_33 = arith.subf %neg3A_32, %add3A_31 : vector<2048x784xf32>
    %exp3A = math.exp %neg3A_33 : vector<2048x784xf32>
    %add3A_34 = arith.constant 1.000000e+00 : f32
    %add3A_35 = vector.broadcast %add3A_34 : f32 to vector<2048x784xf32>
    %add3A_36 = arith.addf %add3A_35, %exp3A : vector<2048x784xf32>
    %div3A = arith.constant 1.000000e+00 : f32
    %div3A_37 = vector.broadcast %div3A : f32 to vector<2048x784xf32>
    %div3A_38 = arith.divf %div3A_37, %add3A_36 : vector<2048x784xf32>
    %convert_element_type3A_39 = arith.truncf %div3A_38 : vector<2048x784xf32> to vector<2048x784xbf16>
    %swap3A_40 = arith.constant 0 : index
    %swap3A_41 = arith.constant 0 : index
    %swap3A_42 = vector.load %arg7[%swap3A_40, %swap3A_41] : memref<2048x784xbf16, #tpu.memory_space<vmem>>, vector<2048x784xbf16>
    tpu.vector_store %arg7[%swap3A_40, %swap3A_41], %convert_element_type3A_39 {strides = array<i32>} : memref<2048x784xbf16, #tpu.memory_space<vmem>>, vector<2048x784xbf16>,
    %get3A_43 = arith.constant 0 : index
    %get3A_44 = arith.constant 0 : index
    %get3A_45 = vector.load %arg0[%get3A_43, %get3A_44] : memref<2048x784xbf16, #tpu.memory_space<vmem>>, vector<2048x784xbf16>
    %convert_element_type3A_46 = arith.extf %get3A_45 : vector<2048x784xbf16> to vector<2048x784xf32>
    %sub3A_47 = arith.constant 1.000000e+00 : f32
    %sub3A_48 = vector.broadcast %sub3A_47 : f32 to vector<2048x784xf32>
    %sub3A_49 = arith.subf %convert_element_type3A_46, %sub3A_48 : vector<2048x784xf32>
    %mul3A_50 = arith.mulf %sub3A_49, %add3A_31 : vector<2048x784xf32>
    %add3A_51 = arith.constant 1.000000e+00 : f32
    %add3A_52 = vector.broadcast %add3A_51 : f32 to vector<2048x784xf32>
    %add3A_53 = arith.addf %add3A_52, %exp3A : vector<2048x784xf32>
    %log3A = math.log %add3A_53 : vector<2048x784xf32>
    %sub3A_54 = arith.subf %mul3A_50, %log3A : vector<2048x784xf32>
    %reduce_sum3A_55 = vector.shape_cast %sub3A_54 : vector<2048x784xf32> to vector<1x2048x784xf32>
    %reduce_sum3A_56 = arith.constant dense<0.000000e+00> : vector<1xf32>
    %reduce_sum3A_57 = vector.multi_reduction <add>, %reduce_sum3A_55, %reduce_sum3A_56 [1, 2] : vector<1x2048x784xf32> to vector<1xf32>
    %reduce_sum3A_58 = vector.shape_cast %reduce_sum3A_57 : vector<1xf32> to vector<1x1x1xf32>
    %reduce_sum3A_59 = vector.extract %reduce_sum3A_58[0, 0, 0] : f32 from vector<1x1x1xf32>
    %reshape3A_60 = vector.broadcast %reduce_sum3A_59 : f32 to vector<1x1xf32>
    %swap3A_61 = arith.constant 0 : index
    %swap3A_62 = arith.constant 0 : index
    %swap3A_63 = vector.load %arg8[%swap3A_61, %swap3A_62] : memref<1x1xf32, #tpu.memory_space<vmem>>, vector<1x1xf32>
    tpu.vector_store %arg8[%swap3A_61, %swap3A_62], %reshape3A_60 {strides = array<i32>} : memref<1x1xf32, #tpu.memory_space<vmem>>, vector<1x1xf32>,
    return
  }
}

</mosaic_0001>

<sc_bundles>
// kernel: kernel.5.cloned.1.call-start
scs
__scs_entry_jumppad:
0x0: {  	(pc) =	sbr.rel $0x88, $3  }
0x1: {  	(tag) =	ssettag $0x0;
	lr =	simm.s32 $0x1  }
0x2: {  	[smem:$0x3F97] =	sst lr;
	_ =	strace $0xD0000000  }
0x3: {  	_ = 	snop  }
0x4: {  	_ = 	snop  }
0x5: {  	_ = 	snop  }
0x6: {  	_ = 	snop  }
0x7: {  	_ = 	snop  }
__scs_overlays_trampoline_lowered:
0x8: {  	[smem:$0x3FA6] =	sst s0  }
0x9: {  	[smem:$0x3FA7] =	sst s1  }
0xa: {  	[smem:$0x3FA8] =	sst s2  }
0xb: {  	[smem:$0x3FA9] =	sst s3  }
0xc: {  	[smem:$0x3FAA] =	sst s4  }
0xd: {  	[smem:$0x3FAB] =	sst s5  }
0xe: {  	[smem:$0x3FAC] =	sst s6  }
0xf: {  	[smem:$0x3FAD] =	sst s7  }
0x10: {  	[smem:$0x3FAE] =	sst s8  }
0x11: {  	[smem:$0x3FAF] =	sst s9;
	s0 =	simm.s32 @!p0 $0x0  }
0x12: {  	s1 =	sld [smem:$0x3F95];
	s0 =	simm.s32 @p0 $0x1  }
0x13: {  	[smem:$0x3FB0] =	sst s0;
	s0 =	simm.s32 @!p1 $0x0  }
0x14: {  	s2 =	sld [smem:$0x3F94];
	s0 =	simm.s32 @p1 $0x1  }
0x15: {  	[smem:$0x3FB1] =	sst s0;
	s0 =	simm.s32 @!p2 $0x0  }
0x16: {  	s3 =	sld [smem:$0x3FDB];
	s0 =	simm.s32 @p2 $0x1  }
0x17: {  	s4 =	simm.s32 $0x1BF5;
	[smem:$0x3FB3] =	sst s0  }
0x18: {  	s0 =	sld [smem:$0x3F96];
	_ =	swait.ge [sflag:s4], $0x0  }
0x19: {  	s7 =	sld [smem:$0x3F97]  }
0x1a: {  	s8 =	sadd.s32 $0xFFFFE003, lr  }
0x1b: {  	s9 =	sadd.s32 $0xFFFFFEF7, lr;
	s5 =	simm.s32 $0xFFFFFFFF;
	p2 =	slt.u32 s8, $0xFFFFF086  }
0x1c: {  	p1 =	slt.u32 s9, $0xF7A;
	s5 =	simm.s32 @!p2 $0x0  }
0x1d: {  	s5 =	simm.s32 @p1 $0x1;
	p0 =	seq.s32 s7, s2  }
0x1e: {  	s7 =	smul.u32 @!p0 $0xF7A, s2;
	p2 =	seq.s32 @!p0 s5, $0x0  }
0x1f: {  	s9 =	smul.u32 $0xF7A, s1;
	s8 =	simm.s32 @!p0 $0x1BF5;
	p2 =	por !p2, p0  }
0x20: {  	[sflag:s8] =	ssyncset.s32 @!p0 $0xFFFFF086;
	s6 =	sadd.s32 @!p0 s3, s7;
	s7 =	simm.s32 @!p0 $0x108  }
0x21: {  	s3 =	sadd.s32 s3, s9;
	s6 =	sadd.s32 @!p0 $0x88, s6;
	s7 =	simm.s32 @p2 $0x1082  }
0x22: {  	[simem:s7], [sflag:s8] =	dma.local @!p0 [hbm:s6], $0xF7A  }
0x23: {  	s9 =	sor.u32 $0xD0000000, s2;
	s6 =	simm.s32 $0x108;
	_ =	swait.ge @!p0 [sflag:s8], $0x0  }
0x24: {  	s3 =	sadd.s32 $0x88, s3;
	s6 =	simm.s32 @!p1 $0x1082;
	[sflag:s4] =	ssyncset.s32 $0xFFFFF086  }
0x25: {  	[simem:s6], [sflag:s4] =	dma.local [hbm:s3], $0xF7A  }
0x26: {  	[smem:$0x3F97] =	sst s1;
	(tag) =	ssettag s2;
	_ =	strace s9  }
0x27: {  	s1 =	sld [smem:$0x3FA7]  }
0x28: {  	s2 =	sld [smem:$0x3FA8]  }
0x29: {  	s4 =	sld [smem:$0x3FAA]  }
0x2a: {  	p0 =	seq.s32 s5, $0x0;
	s5 =	sld [smem:$0x3FAB]  }
0x2b: {  	s6 =	sld [smem:$0x3FAC]  }
0x2c: {  	s7 =	sld [smem:$0x3FAD]  }
0x2d: {  	s3 =	simm.s32 $0x108;
	s8 =	sld [smem:$0x3FAE]  }
0x2e: {  	s3 =	simm.s32 @!p0 $0x1082;
	s9 =	sld [smem:$0x3FAF]  }
0x2f: {  	lr =	sadd.s32 s0, s3;
	s0 =	sld [smem:$0x3FA6]  }
0x30: {  	s3 =	sld [smem:$0x3FA9]  }
0x31: {  	[smem:$0x3FB2] =	sst s10  }
0x32: {  	s10 =	sld [smem:$0x3FB0];
	_ =	sdelay $0x3  }
0x33: {  	p0 =	seq.s32 s10, $0x1;
	s10 =	sld [smem:$0x3FB2];
	_ =	sdelay $0x3  }
0x34: {  	[smem:$0x3FB2] =	sst s10  }
0x35: {  	s10 =	sld [smem:$0x3FB1];
	_ =	sdelay $0x3  }
0x36: {  	p1 =	seq.s32 s10, $0x1;
	s10 =	sld [smem:$0x3FB2];
	_ =	sdelay $0x3  }
0x37: {  	[smem:$0x3FB2] =	sst s10  }
0x38: {  	s10 =	sld [smem:$0x3FB3]  }
0x39: {  	_ = 	snop;
	(pc) =	sbr.ind lr, $3  }
0x3a: {  	_ = 	snop  }
0x3b: {  	_ = 	snop  }
0x3c: {  	p2 =	seq.s32 s10, $0x1;
	s10 =	sld [smem:$0x3FB2]  }
0x3d: {  	_ =	shalt  }
0x3e: {  	_ =	shalt  }
0x3f: {  	_ =	shalt  }
0x40: {  	_ =	shalt  }
0x41: {  	_ =	shalt  }
0x42: {  	_ =	shalt  }
0x43: {  	_ =	shalt  }
0x44: {  	_ =	shalt  }
0x45: {  	_ =	shalt  }
0x46: {  	_ =	shalt  }
0x47: {  	_ =	shalt  }
0x48: {  	_ =	shalt  }
0x49: {  	_ =	shalt  }
0x4a: {  	_ =	shalt  }
0x4b: {  	_ =	shalt  }
0x4c: {  	_ =	shalt  }
0x4d: {  	_ =	shalt  }
0x4e: {  	_ =	shalt  }
0x4f: {  	_ =	shalt  }
0x50: {  	_ =	shalt  }
0x51: {  	_ =	shalt  }
0x52: {  	_ =	shalt  }
0x53: {  	_ =	shalt  }
0x54: {  	_ =	shalt  }
0x55: {  	_ =	shalt  }
0x56: {  	_ =	shalt  }
0x57: {  	_ =	shalt  }
0x58: {  	_ =	shalt  }
0x59: {  	_ =	shalt  }
0x5a: {  	_ =	shalt  }
0x5b: {  	_ =	shalt  }
0x5c: {  	_ =	shalt  }
0x5d: {  	_ =	shalt  }
0x5e: {  	_ =	shalt  }
0x5f: {  	_ =	shalt  }
0x60: {  	_ =	shalt  }
0x61: {  	_ =	shalt  }
0x62: {  	_ =	shalt  }
0x63: {  	_ =	shalt  }
0x64: {  	_ =	shalt  }
0x65: {  	_ =	shalt  }
0x66: {  	_ =	shalt  }
0x67: {  	_ =	shalt  }
0x68: {  	_ =	shalt  }
0x69: {  	_ =	shalt  }
0x6a: {  	_ =	shalt  }
0x6b: {  	_ =	shalt  }
0x6c: {  	_ =	shalt  }
0x6d: {  	_ =	shalt  }
0x6e: {  	_ =	shalt  }
0x6f: {  	_ =	shalt  }
0x70: {  	_ =	shalt  }
0x71: {  	_ =	shalt  }
0x72: {  	_ =	shalt  }
0x73: {  	_ =	shalt  }
0x74: {  	_ =	shalt  }
0x75: {  	_ =	shalt  }
0x76: {  	_ =	shalt  }
0x77: {  	_ =	shalt  }
0x78: {  	_ =	shalt  }
0x79: {  	_ =	shalt  }
0x7a: {  	_ =	shalt  }
0x7b: {  	_ =	shalt  }
0x7c: {  	_ =	shalt  }
0x7d: {  	_ =	shalt  }
0x7e: {  	_ =	shalt  }
0x7f: {  	_ =	shalt  }
0x80: {  	_ =	shalt  }
0x81: {  	_ =	shalt  }
0x82: {  	_ =	shalt  }
0x83: {  	_ =	shalt  }
0x84: {  	_ =	shalt  }
0x85: {  	_ =	shalt  }
0x86: {  	_ =	shalt  }
0x87: {  	_ =	shalt  }
.Lfunc_end0:
.L_simem_size_0:
called_computation_lowered:
.L_overlay_start_0:
0x88: {  	s2 =	sld [smem:$0x3FD9]  }
0x89: {  	s3 =	sld [smem:$0x3FFE];
	_ =	sdelay $0x1  }
0x8a: {  	s1 =	srdreg.scid  }
0x8b: {  	s0 =	sand.u32 $0x1, s1  }
0x8c: {  	s14 =	sshll.u32 s0, $0xA;
	s2 =	sadd.s32 s3, s2  }
0x8d: {  	s2 =	sadd.s32 s2, s14  }
0x8e: {  	[smem:$0x3FBE] =	sst s2  }
0x8f: {  	_ = 	snop  }
0x90: {  	s2 =	sld [smem:$0x3FD0];
	_ =	sdelay $0x2  }
0x91: {  	s15 =	simm.s32 $0xA;
	s4 =	simm.s32 $0x10  }
0x92: {  	[smem:s4], [sflag:s15] =	dma.local [hbm:s2], $0x1  }
0x93: {  	_ =	swait.eq [sflag:s15], $0x1  }
0x94: {  	[sflag:s15] =	ssyncset.done $0x0  }
0x95: {  	[sflag:s15] =	ssyncadd.s32 $0xFFFFFFFF  }
0x96: {  	s16 =	sld [smem:$0x10];
	(tm) =	ssettm $0x1  }
0x97: {  	s17 =	sld [smem:$0x3FFB];
	_ =	sdelay $0x3  }
0x98: {  	_ =	strace s17  }
0x99: {  	s3 =	sld [smem:$0x3FFC];
	_ =	sdelay $0x3  }
0x9a: {  	_ =	strace s3  }
0x9b: {  	s3 =	sld [smem:$0x3FFD];
	_ =	sdelay $0x3  }
0x9c: {  	_ =	strace s3  }
0x9d: {  	_ =	strace $0x8FFFFFFF  }
0x9e: {  	s18 =	sld [smem:$0x3FDB];
	_ =	sdelay $0x1  }
0x9f: {  	s19 =	simm.s32 $_scs_section_size  }
0xa0: {  	s5 =	simm.s32 $_size__tile_overlayer_lowered;
	s6 =	simm.s32 $_tile_overlayer_lowered  }
0xa1: {  	s22 =	simm.s32 $0x1BFF;
	s21 =	sshll.u32 s6, $0x1;
	s3 =	sadd.s32 s19, s18  }
0xa2: {  	s7 =	simm.s32 $0x0;
	s20 =	sshll.u32 s5, $0x1;
	s5 =	sadd.s32 s21, s3  }
0xa3: {  	[timem:s7], [sflag:s22] =	dma.local [hbm:s5], s20  }
0xa4: {  	_ =	swait.ge [sflag:s22], s20  }
0xa5: {  	s4 =	ssub.s32 $0x0, s20;
	[sflag:s22] =	ssyncset.done $0x0  }
0xa6: {  	[sflag:s22] =	ssyncadd.s32 s4;
	_ =	sdelay $0x1  }
0xa7: {  	s23 =	simm.s32 $0x1B8B  }
0xa8: {  	_ =	swait.ge [sflag:s23], $0x1  }
0xa9: {  	[sflag:s23] =	ssyncset.done $0x0  }
0xaa: {  	s25 =	simm.s32 $0x1B8E;
	s24 =	sld [smem:$0x3FFE];
	[sflag:s23] =	ssyncadd.s32 $0xFFFFFFFF  }
0xab: {  	s26 =	simm.s32 $execute0_lowered;
	[smem:$0x3FD2] =	sst s25  }
0xac: {  	s5 =	sshll.u32 s26, $0x1;
	_ =	strace $0x80000046;
	[dreg:$0x1] =	wrdreg $0xFFFFFFFF  }
0xad: {  	s28 =	simm.s32 $_size_execute0_lowered;
	s3 =	sadd.s32 s3, s5;
	[dreg:$0x0] =	wrdreg $0x0  }
0xae: {  	s5 =	sshll.u32 s28, $0x1;
	[dreg:$0x2] =	wrdreg s3  }
0xaf: {  	[dreg:$0x3] =	wrdreg s5  }
0xb0: {  	[dreg:$0x4] =	wrdreg $0xC0  }
0xb1: {  	_ =	task [dreg:s7], $0x5FFFF  }
0xb2: {  	[dreg:$0x1] =	wrdreg $0xFFFFFFFF  }
0xb3: {  	[dreg:$0x0] =	wrdreg $0x60  }
0xb4: {  	[dreg:$0x2] =	wrdreg s24  }
0xb5: {  	[dreg:$0x3] =	wrdreg s16  }
0xb6: {  	[dreg:$0x4] =	wrdreg $0x9  }
0xb7: {  	_ =	task.clear_ibuf [dreg:s7], $0x5FFFF;
	_ =	strace $0x90000046  }
0xb8: {  	s29 =	simm.s32 $0x9;
	_ =	strace $0x80000048  }
0xb9: {  	_ =	swait.ge [sflag:s29], $0x1  }
0xba: {  	[sflag:s29] =	ssyncadd.s32 $0xFFFFFFFF  }
0xbb: {  	_ =	strace $0x90000048  }
0xbc: {  	_ =	sfence  }
0xbd: {  	s30 =	sld [smem:$0x0];
	_ =	sdelay $0x2  }
0xbe: {  	s31 =	sshll.u32 s1, $0xD;
	s1 =	sshrl.u32 s1, $0x2  }
0xbf: {  	s3 =	sand.u32 $0x4000, s31;
	s1 =	sadd.s32 s1, s30  }
0xc0: {  	s0 =	sor.u32 s3, s0;
	s1 =	sshll.u32 s1, $0x11  }
0xc1: {  	s0 =	sor.u32 s1, s0  }
0xc2: {  	s0 =	sadd.s32 $0x8F2B, s0  }
0xc3: {  	[sflag:s0] =	ssyncadd.remote.s32 $0x1  }
0xc4: {  	_ =	sfence.sel $0xFFFF  }
0xc5: {  	[dreg:$0x0] =	wrdreg $0xFFFFFFFF;
	(pc) =	sbr.abs _section_cstart, $3  }
0xc6: {  	[dreg:$0x1] =	wrdreg $0xFFFFFFFF  }
0xc7: {  	_ =	task.clear_ibuf [dreg:s7], $0x2FFFF;
	_ =	strace $0x9FFFFFFF  }
0xc8: {  	(tm) =	ssettm $0x7FFFFFFF  }
0xc9: {  	_ =	shalt  }
tec
execute0_lowered:
.L_overlay_start_1:
0x0: {  	(tag) =	ssettag $0x1  }
0x1: {  	s1 =	srdreg.scid  }
0x2: {  	s0 =	stileid.u32;
	s6 =	sand.u32 $0x1, s1  }
0x3: {  	s5 =	rddreg [dreg:$0x0];
	s30 =	sshll.u32 s0, $0x7;
	s2 =	sshll.u32 s6, $0x6  }
0x4: {  	s9 =	rddreg [dreg:$0x1];
	s7 =	simm.s32 $0x80;
	s10 =	sor.u32 s2, s30  }
0x5: {  	s1 =	rddreg [dreg:$0x2];
	s2 =	simm.s32 $0x0;
	s3 =	sshrl.u32 s10, $0x3  }
0x6: {  	s11 =	ssub.s32 $0x2, s6;
	[smem:$0x7FF] =	sst s2;
	s3 =	sadd.s32 s3, s5  }
0x7: {  	_ =	strace $0x80000047;
	s4 =	sadd.s32 $0x3400, s3;
	s3 =	simm.s32 $0x2  }
0x8: {  	[tilespmem:s2], [sflag:$0x2] =	stream.linear.gather [hbm4b:s4+s2], $0x40, $0x38;
	[tilespmem:$0x2080] =	vst v63  }
0x9: {  	s8 =	simm.s32 $0x1;
	s12 =	sshrl.u32 s11, $0x1;
	_ =	swait.ge [sflag:s3], $0x40  }
0xa: {  	s6 =	simm.s32 $0x40;
	s11 =	ssub.s32 s11, s12;
	[sflag:s3] =	ssyncset.done $0x0  }
0xb: {  	s5 =	sadd.s32 $0x1400, s5;
	s31 =	smax.u32 s11, $0x1;
	[sflag:s3] =	ssyncadd.s32 $0xFFFFFFC0  }
0xc: {  	[tilespmem:s7], [sflag:$0x1] =	stream.indirect.gather [hbm4b:s5+s6], $0x80, s2, s6, $0xb8;
	[tilespmem:$0x2080] =	vst v63  }
0xd: {  	p0 =	sne.s32 s31, $0x1;
	_ =	swait.ge [sflag:s8], $0x2000  }
.Ltmp0:
0xe: {  	s10 =	sshll.u32 s10, $0x4;
	[sflag:s8] =	ssyncset.done $0x0;
	(pc) =	sbr.rel @!p0 .LBB2_2-.Ltmp0, $4  }
0xf: {  	s9 =	sadd.s32 s9, s10;
	[sflag:s8] =	ssyncadd.s32 $0xFFFFE000  }
0x10: {  	[hbm4b:s9+s2] =	stream.linear.scatter [tilespmem:s7], [sflag:$0x2], $0x2000, $0x38;
	[tilespmem:$0x2080] =	vst v63  }
0x11: {  	_ =	swait.ge [sflag:s3], $0x2000  }
0x12: {  	s10 =	sadd.s32 $0xFFFFFFFF, s31;
	[sflag:s3] =	ssyncset.done $0x0  }
.LBB2_1:
0x13: {  	p0 =	sne.s32 s10, $0x1;
	s10 =	sadd.s32 $0xFFFFFFFF, s10;
	[sflag:s3] =	ssyncadd.s32 $0xFFFFE000  }
0x14: {  	[tilespmem:s2], [sflag:$0x2] =	stream.linear.gather [hbm4b:s4+s2], $0x40, $0x38;
	[tilespmem:$0x2080] =	vst v63  }
0x15: {  	_ =	swait.ge [sflag:s3], $0x40  }
0x16: {  	[sflag:s3] =	ssyncset.done $0x0  }
0x17: {  	[sflag:s3] =	ssyncadd.s32 $0xFFFFFFC0  }
0x18: {  	[tilespmem:s7], [sflag:$0x1] =	stream.indirect.gather [hbm4b:s5+s6], $0x80, s2, s6, $0xb8;
	[tilespmem:$0x2080] =	vst v63  }
0x19: {  	_ =	swait.ge [sflag:s8], $0x2000  }
.Ltmp1:
0x1a: {  	[sflag:s8] =	ssyncset.done $0x0;
	(pc) =	sbr.rel @p0 .LBB2_1-.Ltmp1, $4  }
0x1b: {  	[sflag:s8] =	ssyncadd.s32 $0xFFFFE000  }
0x1c: {  	[hbm4b:s9+s2] =	stream.linear.scatter [tilespmem:s7], [sflag:$0x2], $0x2000, $0x38;
	[tilespmem:$0x2080] =	vst v63  }
0x1d: {  	_ =	swait.ge [sflag:s3], $0x2000  }
0x1e: {  	[sflag:s3] =	ssyncset.done $0x0  }
.LBB2_2:
0x1f: {  	[sflag:s3] =	ssyncadd.s32 $0xFFFFE000  }
0x20: {  	_ =	sfence.sel $0x180000  }
0x21: {  	[bflag:$0x0] =	sbarrier.arrive $0xFFFF  }
0x22: {  	p0 =	sne.s32 s0, $0x0;
	_ =	strace $0x90000047  }
0x23: {  	s0 =	sadd.s32 @!p0 $0x100000, s1;
	[bflag:$0x2] =	sbarrier.arrive $0xFFFF  }
0x24: {  	[sflag:s0] =	ssyncadd.tile.s32 @!p0 $0x1;
	_ =	shalt  }
.Lfunc_end2:
_tile_overlayer_lowered:
.L_overlay_start_2:
0x25: {  	(tag) =	ssettag $0x2  }
0x26: {  	s0 =	rddreg [dreg:$0x0];
	s2 =	stileid.u32  }
0x27: {  	s1 =	rddreg [dreg:$0x1];
	p0 =	sne.s32 s2, $0x0  }
0x28: {  	s3 =	rddreg [dreg:$0x2];
	[bflag:$0x3] =	sbarrier.arrive $0xFFFF;
	s2 =	simm.s32 @!p0 $0x1C02  }
0x29: {  	[timem:s3], [sflag:s2] =	dma.local @!p0 [hbm:s0], s1  }
0x2a: {  	s0 =	simm.s32 @!p0 $0x2  }
0x2b: {  	_ =	swait.ge @!p0 [sflag:s0], s1  }
0x2c: {  	s1 =	ssub.s32 @!p0 $0x0, s1;
	[sflag:s0] =	ssyncset.done @!p0 $0x0  }
0x2d: {  	[sflag:s0] =	ssyncadd.s32 @!p0 s1  }
0x2e: {  	[bflag:$0x3] =	sbarrier.arrive $0xFFFF  }
0x2f: {  	_ =	shalt  }

</sc_bundles>
